<compile_context>
chip_gen: v7x
topology: tpu7x:2x2x1
jax: 0.10.2.dev20260603
libtpu: 0.0.44.dev20260713+nightly
codegen_flags: <defaults>
</compile_context>

<pallas_src>
import functools

import jax
import jax.numpy as jnp
from jax import lax
from jax.experimental import pallas as pl
from jax.experimental.pallas import tpu as pltpu
from jax.experimental.pallas import tpu_sc as plsc

B = 16384
N_COV = 128
NC = 2
NS = 16
NW = NC * NS
BPW = B // NW
LANES = 16


def _sc_fe_body(eid_hbm, tid_hbm, efe_hbm, tfe_hbm, out_hbm,
                eidx_v, tidx_v, e_v, t_v,
                sem_ei, sem_ti, sem_t, sem_e):
    wid = lax.axis_index("s") * NC + lax.axis_index("c")
    base = wid * BPW
    cp_ei = pltpu.async_copy(eid_hbm.at[pl.ds(base, BPW)], eidx_v, sem_ei)
    cp_ti = pltpu.async_copy(tid_hbm.at[pl.ds(base, BPW)], tidx_v, sem_ti)
    cp_ei.wait()
    cp_e = pltpu.async_copy(efe_hbm.at[eidx_v], e_v, sem_e)
    cp_ti.wait()
    cp_t = pltpu.async_copy(tfe_hbm.at[tidx_v], t_v, sem_t)
    cp_t.wait()
    cp_e.wait()
    for i in range(BPW // LANES):
        sl = pl.ds(i * LANES, LANES)
        e_v[sl] = e_v[sl] + t_v[sl]
    pltpu.sync_copy(e_v, out_hbm.at[pl.ds(base, BPW)])


_sc_fe = functools.partial(
    pl.kernel,
    mesh=plsc.VectorSubcoreMesh(core_axis_name="c", subcore_axis_name="s"),
    out_type=jax.ShapeDtypeStruct((B,), jnp.float32),
    scratch_types=[
        pltpu.VMEM((BPW,), jnp.int32),
        pltpu.VMEM((BPW,), jnp.int32),
        pltpu.VMEM((BPW,), jnp.float32),
        pltpu.VMEM((BPW,), jnp.float32),
        pltpu.SemaphoreType.DMA,
        pltpu.SemaphoreType.DMA,
        pltpu.SemaphoreType.DMA,
        pltpu.SemaphoreType.DMA,
    ],
)(_sc_fe_body)


def _tc_mv_body(x_ref, w_ref, o_ref):
    o_ref[...] = jax.lax.dot_general(
        x_ref[...], w_ref[...], (((1,), (1,)), ((), ())),
        preferred_element_type=jnp.float32)


def _tc_matvec(X, beta_w):
    blk = 8192
    return pl.pallas_call(
        _tc_mv_body,
        grid=(B // blk,),
        in_specs=[
            pl.BlockSpec((blk, N_COV), lambda i: (i, 0)),
            pl.BlockSpec((1, N_COV), lambda i: (0, 0)),
        ],
        out_specs=pl.BlockSpec((blk, 1), lambda i: (i, 0)),
        out_shape=jax.ShapeDtypeStruct((B, 1), jnp.float32),
    )(X, beta_w)


def _tc_add_body(a_ref, b_ref, o_ref):
    o_ref[...] = a_ref[...] + b_ref[...]


def _tc_add(a, b):
    return pl.pallas_call(
        _tc_add_body,
        out_shape=jax.ShapeDtypeStruct((B,), jnp.float32),
    )(a, b)


@jax.jit
def kernel(entity_ids, time_ids, X, entity_fe, time_fe, beta_w):
    fe_sum = _sc_fe(entity_ids, time_ids,
                    entity_fe.reshape(-1), time_fe.reshape(-1))
    xb = _tc_matvec(X, beta_w)
    return _tc_add(xb.reshape(B), fe_sum)

# --- scband reference (transcript-rebuilt; emitter-appended) ---
"""Pipeline reference for scband-proper-two-way-fenet-10436770530025 (READ-ONLY COPY).

The authoritative reference and input builder live on the scoring server;
editing this copy changes nothing except your own understanding.
"""

import jax, jax.numpy as jnp
import numpy as np

N_ENTITIES = 1000000
N_PERIODS = 1000
N_COV = 128
BATCH = 16384


def setup_inputs(seed: int = 0) -> dict:
    key = jax.random.key(seed)
    k1, k2, k3, k4, k5, k6 = jax.random.split(key, 6)
    entity_ids = jax.random.randint(k1, (BATCH,), 0, N_ENTITIES, dtype=jnp.int64 if jax.config.jax_enable_x64 else jnp.int32)
    time_ids = jax.random.randint(k2, (BATCH,), 0, N_PERIODS, dtype=jnp.int64 if jax.config.jax_enable_x64 else jnp.int32)
    X = jax.random.normal(k3, (BATCH, N_COV), dtype=jnp.float32)
    # learned parameters, initialized like the torch module
    entity_fe = 0.1 * jax.random.normal(k4, (N_ENTITIES, 1), dtype=jnp.float32)
    time_fe = 0.1 * jax.random.normal(k5, (N_PERIODS, 1), dtype=jnp.float32)
    beta_w = 0.5 + 0.2 * jax.random.normal(k6, (1, N_COV), dtype=jnp.float32)
    return {"entity_ids": entity_ids, "time_ids": time_ids, "X": X,
            "entity_fe": entity_fe, "time_fe": time_fe, "beta_w": beta_w}


def reference(entity_ids, time_ids, X, entity_fe, time_fe, beta_w):
    # entity_fe(entity_ids).squeeze() -> gather rows from embedding table
    entity_effect = jnp.take(entity_fe, entity_ids, axis=0).squeeze(-1)  # [B]
    time_effect = jnp.take(time_fe, time_ids, axis=0).squeeze(-1)        # [B]
    # nn.Linear(n_covariates, 1, bias=False): X @ W^T, then squeeze
    linear_pred = (X @ beta_w.T).squeeze(-1) + entity_effect + time_effect  # [B]
    return linear_pred

if __name__ == "__main__":
    import jax
    _d = setup_inputs()
    print(jax.jit(kernel)(*tuple(_d.values())))

</pallas_src>

<mosaic_0001>
#map = affine_map<(d0, d1) -> (0)>
module attributes {stable_mosaic.version = 14 : i64} {
  func.func @_sc_fe_body(%arg0: i32, %arg1: i32, %arg2: memref<16384xi32, #tpu.memory_space<hbm>>, %arg3: memref<16384xi32, #tpu.memory_space<hbm>>, %arg4: memref<1000000xf32, #tpu.memory_space<hbm>>, %arg5: memref<1000xf32, #tpu.memory_space<hbm>>, %arg6: memref<16384xf32, #tpu.memory_space<hbm>>, %arg7: memref<512xi32, #tpu.memory_space<vmem>>, %arg8: memref<512xi32, #tpu.memory_space<vmem>>, %arg9: memref<512xf32, #tpu.memory_space<vmem>>, %arg10: memref<512xf32, #tpu.memory_space<vmem>>, %arg11: memref<!tpu.dma_semaphore, #tpu.memory_space<semaphore_mem>>, %arg12: memref<!tpu.dma_semaphore, #tpu.memory_space<semaphore_mem>>, %arg13: memref<!tpu.dma_semaphore, #tpu.memory_space<semaphore_mem>>, %arg14: memref<!tpu.dma_semaphore, #tpu.memory_space<semaphore_mem>>) attributes {dimension_semantics = [#tpu.dimension_semantics<core_parallel>, #tpu.dimension_semantics<subcore_parallel>], iteration_bounds = array<i64: 2, 16>, scalar_prefetch = 0 : i64, scratch_operands = 8 : i64, tpu.core_type = #tpu.core_type<sc_vector_subcore>, window_params = [{transform_indices = #map}, {transform_indices = #map}, {transform_indices = #map}, {transform_indices = #map}, {transform_indices = #map}]} {
    %mul3A = arith.constant 2 : i32
    %mul3A_0 = arith.muli %arg1, %mul3A : i32
    %add3A = arith.addi %mul3A_0, %arg0 : i32
    %mul3A_1 = arith.constant 512 : i32
    %mul3A_2 = arith.muli %add3A, %mul3A_1 : i32
    %dma_start3A = tpu.memref_slice %arg2[%mul3A_2] : memref<16384xi32, #tpu.memory_space<hbm>> -> memref<512xi32, #tpu.memory_space<hbm>>
    %dma_start3A_3 = tpu.memref_slice %arg2[%mul3A_2] : memref<16384xi32, #tpu.memory_space<hbm>> -> memref<512xi32, #tpu.memory_space<hbm>>
    tpu.enqueue_dma source(%dma_start3A_3 : memref<512xi32, #tpu.memory_space<hbm>>) target(%arg7 : memref<512xi32, #tpu.memory_space<vmem>>) target_semaphore(%arg11 : memref<!tpu.dma_semaphore, #tpu.memory_space<semaphore_mem>>)
    %dma_start3A_4 = tpu.memref_slice %arg3[%mul3A_2] : memref<16384xi32, #tpu.memory_space<hbm>> -> memref<512xi32, #tpu.memory_space<hbm>>
    %dma_start3A_5 = tpu.memref_slice %arg3[%mul3A_2] : memref<16384xi32, #tpu.memory_space<hbm>> -> memref<512xi32, #tpu.memory_space<hbm>>
    tpu.enqueue_dma source(%dma_start3A_5 : memref<512xi32, #tpu.memory_space<hbm>>) target(%arg8 : memref<512xi32, #tpu.memory_space<vmem>>) target_semaphore(%arg12 : memref<!tpu.dma_semaphore, #tpu.memory_space<semaphore_mem>>)
    %dma_wait3A = tpu.memref_slice %arg2[%mul3A_2] : memref<16384xi32, #tpu.memory_space<hbm>> -> memref<512xi32, #tpu.memory_space<hbm>>
    %dma_wait3A_6 = tpu.memref_slice %arg2[%mul3A_2] : memref<16384xi32, #tpu.memory_space<hbm>> -> memref<512xi32, #tpu.memory_space<hbm>>
    tpu.wait_dma2 semaphore(%arg11 : memref<!tpu.dma_semaphore, #tpu.memory_space<semaphore_mem>>) src(%dma_wait3A_6 : memref<512xi32, #tpu.memory_space<hbm>>) dst(%arg7 : memref<512xi32, #tpu.memory_space<vmem>>)
    %dma_start3A_7 = arith.constant 0 : i32
    %dma_start3A_8 = tpu.memref_slice %arg4[%dma_start3A_7] : memref<1000000xf32, #tpu.memory_space<hbm>> -> memref<1000000xf32, #tpu.memory_space<hbm>>
    tpu.enqueue_indirect_dma source(%dma_start3A_8 : memref<1000000xf32, #tpu.memory_space<hbm>>) target(%arg9 : memref<512xf32, #tpu.memory_space<vmem>>) offsets(%arg7 : memref<512xi32, #tpu.memory_space<vmem>>) semaphore(%arg14 : memref<!tpu.dma_semaphore, #tpu.memory_space<semaphore_mem>>)
    %dma_wait3A_9 = tpu.memref_slice %arg3[%mul3A_2] : memref<16384xi32, #tpu.memory_space<hbm>> -> memref<512xi32, #tpu.memory_space<hbm>>
    %dma_wait3A_10 = tpu.memref_slice %arg3[%mul3A_2] : memref<16384xi32, #tpu.memory_space<hbm>> -> memref<512xi32, #tpu.memory_space<hbm>>
    tpu.wait_dma2 semaphore(%arg12 : memref<!tpu.dma_semaphore, #tpu.memory_space<semaphore_mem>>) src(%dma_wait3A_10 : memref<512xi32, #tpu.memory_space<hbm>>) dst(%arg8 : memref<512xi32, #tpu.memory_space<vmem>>)
    %dma_start3A_11 = arith.constant 0 : i32
    %dma_start3A_12 = tpu.memref_slice %arg5[%dma_start3A_11] : memref<1000xf32, #tpu.memory_space<hbm>> -> memref<1000xf32, #tpu.memory_space<hbm>>
    tpu.enqueue_indirect_dma source(%dma_start3A_12 : memref<1000xf32, #tpu.memory_space<hbm>>) target(%arg10 : memref<512xf32, #tpu.memory_space<vmem>>) offsets(%arg8 : memref<512xi32, #tpu.memory_space<vmem>>) semaphore(%arg13 : memref<!tpu.dma_semaphore, #tpu.memory_space<semaphore_mem>>)
    %dma_wait3A_13 = arith.constant 0 : i32
    %dma_wait3A_14 = tpu.memref_slice %arg5[%dma_wait3A_13] : memref<1000xf32, #tpu.memory_space<hbm>> -> memref<1000xf32, #tpu.memory_space<hbm>>
    tpu.wait_indirect_dma semaphore(%arg13 : memref<!tpu.dma_semaphore, #tpu.memory_space<semaphore_mem>>) src(%dma_wait3A_14 : memref<1000xf32, #tpu.memory_space<hbm>>) dst(%arg10 : memref<512xf32, #tpu.memory_space<vmem>>)
    %dma_wait3A_15 = arith.constant 0 : i32
    %dma_wait3A_16 = tpu.memref_slice %arg4[%dma_wait3A_15] : memref<1000000xf32, #tpu.memory_space<hbm>> -> memref<1000000xf32, #tpu.memory_space<hbm>>
    tpu.wait_indirect_dma semaphore(%arg14 : memref<!tpu.dma_semaphore, #tpu.memory_space<semaphore_mem>>) src(%dma_wait3A_16 : memref<1000000xf32, #tpu.memory_space<hbm>>) dst(%arg9 : memref<512xf32, #tpu.memory_space<vmem>>)
    %get3A = arith.constant 0 : index
    %get3A_17 = tpu.vector_load %arg9[%get3A] {strides = array<i32>} : memref<512xf32, #tpu.memory_space<vmem>>, vector<16xf32>,
    %get3A_18 = vector.shape_cast %get3A_17 : vector<16xf32> to vector<16xf32>
    %get3A_19 = arith.constant 0 : index
    %get3A_20 = tpu.vector_load %arg10[%get3A_19] {strides = array<i32>} : memref<512xf32, #tpu.memory_space<vmem>>, vector<16xf32>,
    %get3A_21 = vector.shape_cast %get3A_20 : vector<16xf32> to vector<16xf32>
    %add3A_22 = arith.addf %get3A_18, %get3A_21 : vector<16xf32>
    %swap3A = arith.constant 0 : index
    %swap3A_23 = tpu.vector_load %arg9[%swap3A] {strides = array<i32>} : memref<512xf32, #tpu.memory_space<vmem>>, vector<16xf32>,
    %swap3A_24 = vector.shape_cast %swap3A_23 : vector<16xf32> to vector<16xf32>
    %swap3A_25 = vector.shape_cast %add3A_22 : vector<16xf32> to vector<16xf32>
    tpu.vector_store %arg9[%swap3A], %swap3A_25 {strides = array<i32>} : memref<512xf32, #tpu.memory_space<vmem>>, vector<16xf32>,
    %get3A_26 = arith.constant 16 : index
    %get3A_27 = tpu.vector_load %arg9[%get3A_26] {strides = array<i32>} : memref<512xf32, #tpu.memory_space<vmem>>, vector<16xf32>,
    %get3A_28 = vector.shape_cast %get3A_27 : vector<16xf32> to vector<16xf32>
    %get3A_29 = arith.constant 16 : index
    %get3A_30 = tpu.vector_load %arg10[%get3A_29] {strides = array<i32>} : memref<512xf32, #tpu.memory_space<vmem>>, vector<16xf32>,
    %get3A_31 = vector.shape_cast %get3A_30 : vector<16xf32> to vector<16xf32>
    %add3A_32 = arith.addf %get3A_28, %get3A_31 : vector<16xf32>
    %swap3A_33 = arith.constant 16 : index
    %swap3A_34 = tpu.vector_load %arg9[%swap3A_33] {strides = array<i32>} : memref<512xf32, #tpu.memory_space<vmem>>, vector<16xf32>,
    %swap3A_35 = vector.shape_cast %swap3A_34 : vector<16xf32> to vector<16xf32>
    %swap3A_36 = vector.shape_cast %add3A_32 : vector<16xf32> to vector<16xf32>
    tpu.vector_store %arg9[%swap3A_33], %swap3A_36 {strides = array<i32>} : memref<512xf32, #tpu.memory_space<vmem>>, vector<16xf32>,
    %get3A_37 = arith.constant 32 : index
    %get3A_38 = tpu.vector_load %arg9[%get3A_37] {strides = array<i32>} : memref<512xf32, #tpu.memory_space<vmem>>, vector<16xf32>,
    %get3A_39 = vector.shape_cast %get3A_38 : vector<16xf32> to vector<16xf32>
    %get3A_40 = arith.constant 32 : index
    %get3A_41 = tpu.vector_load %arg10[%get3A_40] {strides = array<i32>} : memref<512xf32, #tpu.memory_space<vmem>>, vector<16xf32>,
    %get3A_42 = vector.shape_cast %get3A_41 : vector<16xf32> to vector<16xf32>
    %add3A_43 = arith.addf %get3A_39, %get3A_42 : vector<16xf32>
    %swap3A_44 = arith.constant 32 : index
    %swap3A_45 = tpu.vector_load %arg9[%swap3A_44] {strides = array<i32>} : memref<512xf32, #tpu.memory_space<vmem>>, vector<16xf32>,
    %swap3A_46 = vector.shape_cast %swap3A_45 : vector<16xf32> to vector<16xf32>
    %swap3A_47 = vector.shape_cast %add3A_43 : vector<16xf32> to vector<16xf32>
    tpu.vector_store %arg9[%swap3A_44], %swap3A_47 {strides = array<i32>} : memref<512xf32, #tpu.memory_space<vmem>>, vector<16xf32>,
    %get3A_48 = arith.constant 48 : index
    %get3A_49 = tpu.vector_load %arg9[%get3A_48] {strides = array<i32>} : memref<512xf32, #tpu.memory_space<vmem>>, vector<16xf32>,
    %get3A_50 = vector.shape_cast %get3A_49 : vector<16xf32> to vector<16xf32>
    %get3A_51 = arith.constant 48 : index
    %get3A_52 = tpu.vector_load %arg10[%get3A_51] {strides = array<i32>} : memref<512xf32, #tpu.memory_space<vmem>>, vector<16xf32>,
    %get3A_53 = vector.shape_cast %get3A_52 : vector<16xf32> to vector<16xf32>
    %add3A_54 = arith.addf %get3A_50, %get3A_53 : vector<16xf32>
    %swap3A_55 = arith.constant 48 : index
    %swap3A_56 = tpu.vector_load %arg9[%swap3A_55] {strides = array<i32>} : memref<512xf32, #tpu.memory_space<vmem>>, vector<16xf32>,
    %swap3A_57 = vector.shape_cast %swap3A_56 : vector<16xf32> to vector<16xf32>
    %swap3A_58 = vector.shape_cast %add3A_54 : vector<16xf32> to vector<16xf32>
    tpu.vector_store %arg9[%swap3A_55], %swap3A_58 {strides = array<i32>} : memref<512xf32, #tpu.memory_space<vmem>>, vector<16xf32>,
    %get3A_59 = arith.constant 64 : index
    %get3A_60 = tpu.vector_load %arg9[%get3A_59] {strides = array<i32>} : memref<512xf32, #tpu.memory_space<vmem>>, vector<16xf32>,
    %get3A_61 = vector.shape_cast %get3A_60 : vector<16xf32> to vector<16xf32>
    %get3A_62 = arith.constant 64 : index
    %get3A_63 = tpu.vector_load %arg10[%get3A_62] {strides = array<i32>} : memref<512xf32, #tpu.memory_space<vmem>>, vector<16xf32>,
    %get3A_64 = vector.shape_cast %get3A_63 : vector<16xf32> to vector<16xf32>
    %add3A_65 = arith.addf %get3A_61, %get3A_64 : vector<16xf32>
    %swap3A_66 = arith.constant 64 : index
    %swap3A_67 = tpu.vector_load %arg9[%swap3A_66] {strides = array<i32>} : memref<512xf32, #tpu.memory_space<vmem>>, vector<16xf32>,
    %swap3A_68 = vector.shape_cast %swap3A_67 : vector<16xf32> to vector<16xf32>
    %swap3A_69 = vector.shape_cast %add3A_65 : vector<16xf32> to vector<16xf32>
    tpu.vector_store %arg9[%swap3A_66], %swap3A_69 {strides = array<i32>} : memref<512xf32, #tpu.memory_space<vmem>>, vector<16xf32>,
    %get3A_70 = arith.constant 80 : index
    %get3A_71 = tpu.vector_load %arg9[%get3A_70] {strides = array<i32>} : memref<512xf32, #tpu.memory_space<vmem>>, vector<16xf32>,
    %get3A_72 = vector.shape_cast %get3A_71 : vector<16xf32> to vector<16xf32>
    %get3A_73 = arith.constant 80 : index
    %get3A_74 = tpu.vector_load %arg10[%get3A_73] {strides = array<i32>} : memref<512xf32, #tpu.memory_space<vmem>>, vector<16xf32>,
    %get3A_75 = vector.shape_cast %get3A_74 : vector<16xf32> to vector<16xf32>
    %add3A_76 = arith.addf %get3A_72, %get3A_75 : vector<16xf32>
    %swap3A_77 = arith.constant 80 : index
    %swap3A_78 = tpu.vector_load %arg9[%swap3A_77] {strides = array<i32>} : memref<512xf32, #tpu.memory_space<vmem>>, vector<16xf32>,
    %swap3A_79 = vector.shape_cast %swap3A_78 : vector<16xf32> to vector<16xf32>
    %swap3A_80 = vector.shape_cast %add3A_76 : vector<16xf32> to vector<16xf32>
    tpu.vector_store %arg9[%swap3A_77], %swap3A_80 {strides = array<i32>} : memref<512xf32, #tpu.memory_space<vmem>>, vector<16xf32>,
    %get3A_81 = arith.constant 96 : index
    %get3A_82 = tpu.vector_load %arg9[%get3A_81] {strides = array<i32>} : memref<512xf32, #tpu.memory_space<vmem>>, vector<16xf32>,
    %get3A_83 = vector.shape_cast %get3A_82 : vector<16xf32> to vector<16xf32>
    %get3A_84 = arith.constant 96 : index
    %get3A_85 = tpu.vector_load %arg10[%get3A_84] {strides = array<i32>} : memref<512xf32, #tpu.memory_space<vmem>>, vector<16xf32>,
    %get3A_86 = vector.shape_cast %get3A_85 : vector<16xf32> to vector<16xf32>
    %add3A_87 = arith.addf %get3A_83, %get3A_86 : vector<16xf32>
    %swap3A_88 = arith.constant 96 : index
    %swap3A_89 = tpu.vector_load %arg9[%swap3A_88] {strides = array<i32>} : memref<512xf32, #tpu.memory_space<vmem>>, vector<16xf32>,
    %swap3A_90 = vector.shape_cast %swap3A_89 : vector<16xf32> to vector<16xf32>
    %swap3A_91 = vector.shape_cast %add3A_87 : vector<16xf32> to vector<16xf32>
    tpu.vector_store %arg9[%swap3A_88], %swap3A_91 {strides = array<i32>} : memref<512xf32, #tpu.memory_space<vmem>>, vector<16xf32>,
    %get3A_92 = arith.constant 112 : index
    %get3A_93 = tpu.vector_load %arg9[%get3A_92] {strides = array<i32>} : memref<512xf32, #tpu.memory_space<vmem>>, vector<16xf32>,
    %get3A_94 = vector.shape_cast %get3A_93 : vector<16xf32> to vector<16xf32>
    %get3A_95 = arith.constant 112 : index
    %get3A_96 = tpu.vector_load %arg10[%get3A_95] {strides = array<i32>} : memref<512xf32, #tpu.memory_space<vmem>>, vector<16xf32>,
    %get3A_97 = vector.shape_cast %get3A_96 : vector<16xf32> to vector<16xf32>
    %add3A_98 = arith.addf %get3A_94, %get3A_97 : vector<16xf32>
    %swap3A_99 = arith.constant 112 : index
    %swap3A_100 = tpu.vector_load %arg9[%swap3A_99] {strides = array<i32>} : memref<512xf32, #tpu.memory_space<vmem>>, vector<16xf32>,
    %swap3A_101 = vector.shape_cast %swap3A_100 : vector<16xf32> to vector<16xf32>
    %swap3A_102 = vector.shape_cast %add3A_98 : vector<16xf32> to vector<16xf32>
    tpu.vector_store %arg9[%swap3A_99], %swap3A_102 {strides = array<i32>} : memref<512xf32, #tpu.memory_space<vmem>>, vector<16xf32>,
    %get3A_103 = arith.constant 128 : index
    %get3A_104 = tpu.vector_load %arg9[%get3A_103] {strides = array<i32>} : memref<512xf32, #tpu.memory_space<vmem>>, vector<16xf32>,
    %get3A_105 = vector.shape_cast %get3A_104 : vector<16xf32> to vector<16xf32>
    %get3A_106 = arith.constant 128 : index
    %get3A_107 = tpu.vector_load %arg10[%get3A_106] {strides = array<i32>} : memref<512xf32, #tpu.memory_space<vmem>>, vector<16xf32>,
    %get3A_108 = vector.shape_cast %get3A_107 : vector<16xf32> to vector<16xf32>
    %add3A_109 = arith.addf %get3A_105, %get3A_108 : vector<16xf32>
    %swap3A_110 = arith.constant 128 : index
    %swap3A_111 = tpu.vector_load %arg9[%swap3A_110] {strides = array<i32>} : memref<512xf32, #tpu.memory_space<vmem>>, vector<16xf32>,
    %swap3A_112 = vector.shape_cast %swap3A_111 : vector<16xf32> to vector<16xf32>
    %swap3A_113 = vector.shape_cast %add3A_109 : vector<16xf32> to vector<16xf32>
    tpu.vector_store %arg9[%swap3A_110], %swap3A_113 {strides = array<i32>} : memref<512xf32, #tpu.memory_space<vmem>>, vector<16xf32>,
    %get3A_114 = arith.constant 144 : index
    %get3A_115 = tpu.vector_load %arg9[%get3A_114] {strides = array<i32>} : memref<512xf32, #tpu.memory_space<vmem>>, vector<16xf32>,
    %get3A_116 = vector.shape_cast %get3A_115 : vector<16xf32> to vector<16xf32>
    %get3A_117 = arith.constant 144 : index
    %get3A_118 = tpu.vector_load %arg10[%get3A_117] {strides = array<i32>} : memref<512xf32, #tpu.memory_space<vmem>>, vector<16xf32>,
    %get3A_119 = vector.shape_cast %get3A_118 : vector<16xf32> to vector<16xf32>
    %add3A_120 = arith.addf %get3A_116, %get3A_119 : vector<16xf32>
    %swap3A_121 = arith.constant 144 : index
    %swap3A_122 = tpu.vector_load %arg9[%swap3A_121] {strides = array<i32>} : memref<512xf32, #tpu.memory_space<vmem>>, vector<16xf32>,
    %swap3A_123 = vector.shape_cast %swap3A_122 : vector<16xf32> to vector<16xf32>
    %swap3A_124 = vector.shape_cast %add3A_120 : vector<16xf32> to vector<16xf32>
    tpu.vector_store %arg9[%swap3A_121], %swap3A_124 {strides = array<i32>} : memref<512xf32, #tpu.memory_space<vmem>>, vector<16xf32>,
    %get3A_125 = arith.constant 160 : index
    %get3A_126 = tpu.vector_load %arg9[%get3A_125] {strides = array<i32>} : memref<512xf32, #tpu.memory_space<vmem>>, vector<16xf32>,
    %get3A_127 = vector.shape_cast %get3A_126 : vector<16xf32> to vector<16xf32>
    %get3A_128 = arith.constant 160 : index
    %get3A_129 = tpu.vector_load %arg10[%get3A_128] {strides = array<i32>} : memref<512xf32, #tpu.memory_space<vmem>>, vector<16xf32>,
    %get3A_130 = vector.shape_cast %get3A_129 : vector<16xf32> to vector<16xf32>
    %add3A_131 = arith.addf %get3A_127, %get3A_130 : vector<16xf32>
    %swap3A_132 = arith.constant 160 : index
    %swap3A_133 = tpu.vector_load %arg9[%swap3A_132] {strides = array<i32>} : memref<512xf32, #tpu.memory_space<vmem>>, vector<16xf32>,
    %swap3A_134 = vector.shape_cast %swap3A_133 : vector<16xf32> to vector<16xf32>
    %swap3A_135 = vector.shape_cast %add3A_131 : vector<16xf32> to vector<16xf32>
    tpu.vector_store %arg9[%swap3A_132], %swap3A_135 {strides = array<i32>} : memref<512xf32, #tpu.memory_space<vmem>>, vector<16xf32>,
    %get3A_136 = arith.constant 176 : index
    %get3A_137 = tpu.vector_load %arg9[%get3A_136] {strides = array<i32>} : memref<512xf32, #tpu.memory_space<vmem>>, vector<16xf32>,
    %get3A_138 = vector.shape_cast %get3A_137 : vector<16xf32> to vector<16xf32>
    %get3A_139 = arith.constant 176 : index
    %get3A_140 = tpu.vector_load %arg10[%get3A_139] {strides = array<i32>} : memref<512xf32, #tpu.memory_space<vmem>>, vector<16xf32>,
    %get3A_141 = vector.shape_cast %get3A_140 : vector<16xf32> to vector<16xf32>
    %add3A_142 = arith.addf %get3A_138, %get3A_141 : vector<16xf32>
    %swap3A_143 = arith.constant 176 : index
    %swap3A_144 = tpu.vector_load %arg9[%swap3A_143] {strides = array<i32>} : memref<512xf32, #tpu.memory_space<vmem>>, vector<16xf32>,
    %swap3A_145 = vector.shape_cast %swap3A_144 : vector<16xf32> to vector<16xf32>
    %swap3A_146 = vector.shape_cast %add3A_142 : vector<16xf32> to vector<16xf32>
    tpu.vector_store %arg9[%swap3A_143], %swap3A_146 {strides = array<i32>} : memref<512xf32, #tpu.memory_space<vmem>>, vector<16xf32>,
    %get3A_147 = arith.constant 192 : index
    %get3A_148 = tpu.vector_load %arg9[%get3A_147] {strides = array<i32>} : memref<512xf32, #tpu.memory_space<vmem>>, vector<16xf32>,
    %get3A_149 = vector.shape_cast %get3A_148 : vector<16xf32> to vector<16xf32>
    %get3A_150 = arith.constant 192 : index
    %get3A_151 = tpu.vector_load %arg10[%get3A_150] {strides = array<i32>} : memref<512xf32, #tpu.memory_space<vmem>>, vector<16xf32>,
    %get3A_152 = vector.shape_cast %get3A_151 : vector<16xf32> to vector<16xf32>
    %add3A_153 = arith.addf %get3A_149, %get3A_152 : vector<16xf32>
    %swap3A_154 = arith.constant 192 : index
    %swap3A_155 = tpu.vector_load %arg9[%swap3A_154] {strides = array<i32>} : memref<512xf32, #tpu.memory_space<vmem>>, vector<16xf32>,
    %swap3A_156 = vector.shape_cast %swap3A_155 : vector<16xf32> to vector<16xf32>
    %swap3A_157 = vector.shape_cast %add3A_153 : vector<16xf32> to vector<16xf32>
    tpu.vector_store %arg9[%swap3A_154], %swap3A_157 {strides = array<i32>} : memref<512xf32, #tpu.memory_space<vmem>>, vector<16xf32>,
    %get3A_158 = arith.constant 208 : index
    %get3A_159 = tpu.vector_load %arg9[%get3A_158] {strides = array<i32>} : memref<512xf32, #tpu.memory_space<vmem>>, vector<16xf32>,
    %get3A_160 = vector.shape_cast %get3A_159 : vector<16xf32> to vector<16xf32>
    %get3A_161 = arith.constant 208 : index
    %get3A_162 = tpu.vector_load %arg10[%get3A_161] {strides = array<i32>} : memref<512xf32, #tpu.memory_space<vmem>>, vector<16xf32>,
    %get3A_163 = vector.shape_cast %get3A_162 : vector<16xf32> to vector<16xf32>
    %add3A_164 = arith.addf %get3A_160, %get3A_163 : vector<16xf32>
    %swap3A_165 = arith.constant 208 : index
    %swap3A_166 = tpu.vector_load %arg9[%swap3A_165] {strides = array<i32>} : memref<512xf32, #tpu.memory_space<vmem>>, vector<16xf32>,
    %swap3A_167 = vector.shape_cast %swap3A_166 : vector<16xf32> to vector<16xf32>
    %swap3A_168 = vector.shape_cast %add3A_164 : vector<16xf32> to vector<16xf32>
    tpu.vector_store %arg9[%swap3A_165], %swap3A_168 {strides = array<i32>} : memref<512xf32, #tpu.memory_space<vmem>>, vector<16xf32>,
    %get3A_169 = arith.constant 224 : index
    %get3A_170 = tpu.vector_load %arg9[%get3A_169] {strides = array<i32>} : memref<512xf32, #tpu.memory_space<vmem>>, vector<16xf32>,
    %get3A_171 = vector.shape_cast %get3A_170 : vector<16xf32> to vector<16xf32>
    %get3A_172 = arith.constant 224 : index
    %get3A_173 = tpu.vector_load %arg10[%get3A_172] {strides = array<i32>} : memref<512xf32, #tpu.memory_space<vmem>>, vector<16xf32>,
    %get3A_174 = vector.shape_cast %get3A_173 : vector<16xf32> to vector<16xf32>
    %add3A_175 = arith.addf %get3A_171, %get3A_174 : vector<16xf32>
    %swap3A_176 = arith.constant 224 : index
    %swap3A_177 = tpu.vector_load %arg9[%swap3A_176] {strides = array<i32>} : memref<512xf32, #tpu.memory_space<vmem>>, vector<16xf32>,
    %swap3A_178 = vector.shape_cast %swap3A_177 : vector<16xf32> to vector<16xf32>
    %swap3A_179 = vector.shape_cast %add3A_175 : vector<16xf32> to vector<16xf32>
    tpu.vector_store %arg9[%swap3A_176], %swap3A_179 {strides = array<i32>} : memref<512xf32, #tpu.memory_space<vmem>>, vector<16xf32>,
    %get3A_180 = arith.constant 240 : index
    %get3A_181 = tpu.vector_load %arg9[%get3A_180] {strides = array<i32>} : memref<512xf32, #tpu.memory_space<vmem>>, vector<16xf32>,
    %get3A_182 = vector.shape_cast %get3A_181 : vector<16xf32> to vector<16xf32>
    %get3A_183 = arith.constant 240 : index
    %get3A_184 = tpu.vector_load %arg10[%get3A_183] {strides = array<i32>} : memref<512xf32, #tpu.memory_space<vmem>>, vector<16xf32>,
    %get3A_185 = vector.shape_cast %get3A_184 : vector<16xf32> to vector<16xf32>
    %add3A_186 = arith.addf %get3A_182, %get3A_185 : vector<16xf32>
    %swap3A_187 = arith.constant 240 : index
    %swap3A_188 = tpu.vector_load %arg9[%swap3A_187] {strides = array<i32>} : memref<512xf32, #tpu.memory_space<vmem>>, vector<16xf32>,
    %swap3A_189 = vector.shape_cast %swap3A_188 : vector<16xf32> to vector<16xf32>
    %swap3A_190 = vector.shape_cast %add3A_186 : vector<16xf32> to vector<16xf32>
    tpu.vector_store %arg9[%swap3A_187], %swap3A_190 {strides = array<i32>} : memref<512xf32, #tpu.memory_space<vmem>>, vector<16xf32>,
    %get3A_191 = arith.constant 256 : index
    %get3A_192 = tpu.vector_load %arg9[%get3A_191] {strides = array<i32>} : memref<512xf32, #tpu.memory_space<vmem>>, vector<16xf32>,
    %get3A_193 = vector.shape_cast %get3A_192 : vector<16xf32> to vector<16xf32>
    %get3A_194 = arith.constant 256 : index
    %get3A_195 = tpu.vector_load %arg10[%get3A_194] {strides = array<i32>} : memref<512xf32, #tpu.memory_space<vmem>>, vector<16xf32>,
    %get3A_196 = vector.shape_cast %get3A_195 : vector<16xf32> to vector<16xf32>
    %add3A_197 = arith.addf %get3A_193, %get3A_196 : vector<16xf32>
    %swap3A_198 = arith.constant 256 : index
    %swap3A_199 = tpu.vector_load %arg9[%swap3A_198] {strides = array<i32>} : memref<512xf32, #tpu.memory_space<vmem>>, vector<16xf32>,
    %swap3A_200 = vector.shape_cast %swap3A_199 : vector<16xf32> to vector<16xf32>
    %swap3A_201 = vector.shape_cast %add3A_197 : vector<16xf32> to vector<16xf32>
    tpu.vector_store %arg9[%swap3A_198], %swap3A_201 {strides = array<i32>} : memref<512xf32, #tpu.memory_space<vmem>>, vector<16xf32>,
    %get3A_202 = arith.constant 272 : index
    %get3A_203 = tpu.vector_load %arg9[%get3A_202] {strides = array<i32>} : memref<512xf32, #tpu.memory_space<vmem>>, vector<16xf32>,
    %get3A_204 = vector.shape_cast %get3A_203 : vector<16xf32> to vector<16xf32>
    %get3A_205 = arith.constant 272 : index
    %get3A_206 = tpu.vector_load %arg10[%get3A_205] {strides = array<i32>} : memref<512xf32, #tpu.memory_space<vmem>>, vector<16xf32>,
    %get3A_207 = vector.shape_cast %get3A_206 : vector<16xf32> to vector<16xf32>
    %add3A_208 = arith.addf %get3A_204, %get3A_207 : vector<16xf32>
    %swap3A_209 = arith.constant 272 : index
    %swap3A_210 = tpu.vector_load %arg9[%swap3A_209] {strides = array<i32>} : memref<512xf32, #tpu.memory_space<vmem>>, vector<16xf32>,
    %swap3A_211 = vector.shape_cast %swap3A_210 : vector<16xf32> to vector<16xf32>
    %swap3A_212 = vector.shape_cast %add3A_208 : vector<16xf32> to vector<16xf32>
    tpu.vector_store %arg9[%swap3A_209], %swap3A_212 {strides = array<i32>} : memref<512xf32, #tpu.memory_space<vmem>>, vector<16xf32>,
    %get3A_213 = arith.constant 288 : index
    %get3A_214 = tpu.vector_load %arg9[%get3A_213] {strides = array<i32>} : memref<512xf32, #tpu.memory_space<vmem>>, vector<16xf32>,
    %get3A_215 = vector.shape_cast %get3A_214 : vector<16xf32> to vector<16xf32>
    %get3A_216 = arith.constant 288 : index
    %get3A_217 = tpu.vector_load %arg10[%get3A_216] {strides = array<i32>} : memref<512xf32, #tpu.memory_space<vmem>>, vector<16xf32>,
    %get3A_218 = vector.shape_cast %get3A_217 : vector<16xf32> to vector<16xf32>
    %add3A_219 = arith.addf %get3A_215, %get3A_218 : vector<16xf32>
    %swap3A_220 = arith.constant 288 : index
    %swap3A_221 = tpu.vector_load %arg9[%swap3A_220] {strides = array<i32>} : memref<512xf32, #tpu.memory_space<vmem>>, vector<16xf32>,
    %swap3A_222 = vector.shape_cast %swap3A_221 : vector<16xf32> to vector<16xf32>
    %swap3A_223 = vector.shape_cast %add3A_219 : vector<16xf32> to vector<16xf32>
    tpu.vector_store %arg9[%swap3A_220], %swap3A_223 {strides = array<i32>} : memref<512xf32, #tpu.memory_space<vmem>>, vector<16xf32>,
    %get3A_224 = arith.constant 304 : index
    %get3A_225 = tpu.vector_load %arg9[%get3A_224] {strides = array<i32>} : memref<512xf32, #tpu.memory_space<vmem>>, vector<16xf32>,
    %get3A_226 = vector.shape_cast %get3A_225 : vector<16xf32> to vector<16xf32>
    %get3A_227 = arith.constant 304 : index
    %get3A_228 = tpu.vector_load %arg10[%get3A_227] {strides = array<i32>} : memref<512xf32, #tpu.memory_space<vmem>>, vector<16xf32>,
    %get3A_229 = vector.shape_cast %get3A_228 : vector<16xf32> to vector<16xf32>
    %add3A_230 = arith.addf %get3A_226, %get3A_229 : vector<16xf32>
    %swap3A_231 = arith.constant 304 : index
    %swap3A_232 = tpu.vector_load %arg9[%swap3A_231] {strides = array<i32>} : memref<512xf32, #tpu.memory_space<vmem>>, vector<16xf32>,
    %swap3A_233 = vector.shape_cast %swap3A_232 : vector<16xf32> to vector<16xf32>
    %swap3A_234 = vector.shape_cast %add3A_230 : vector<16xf32> to vector<16xf32>
    tpu.vector_store %arg9[%swap3A_231], %swap3A_234 {strides = array<i32>} : memref<512xf32, #tpu.memory_space<vmem>>, vector<16xf32>,
    %get3A_235 = arith.constant 320 : index
    %get3A_236 = tpu.vector_load %arg9[%get3A_235] {strides = array<i32>} : memref<512xf32, #tpu.memory_space<vmem>>, vector<16xf32>,
    %get3A_237 = vector.shape_cast %get3A_236 : vector<16xf32> to vector<16xf32>
    %get3A_238 = arith.constant 320 : index
    %get3A_239 = tpu.vector_load %arg10[%get3A_238] {strides = array<i32>} : memref<512xf32, #tpu.memory_space<vmem>>, vector<16xf32>,
    %get3A_240 = vector.shape_cast %get3A_239 : vector<16xf32> to vector<16xf32>
    %add3A_241 = arith.addf %get3A_237, %get3A_240 : vector<16xf32>
    %swap3A_242 = arith.constant 320 : index
    %swap3A_243 = tpu.vector_load %arg9[%swap3A_242] {strides = array<i32>} : memref<512xf32, #tpu.memory_space<vmem>>, vector<16xf32>,
    %swap3A_244 = vector.shape_cast %swap3A_243 : vector<16xf32> to vector<16xf32>
    %swap3A_245 = vector.shape_cast %add3A_241 : vector<16xf32> to vector<16xf32>
    tpu.vector_store %arg9[%swap3A_242], %swap3A_245 {strides = array<i32>} : memref<512xf32, #tpu.memory_space<vmem>>, vector<16xf32>,
    %get3A_246 = arith.constant 336 : index
    %get3A_247 = tpu.vector_load %arg9[%get3A_246] {strides = array<i32>} : memref<512xf32, #tpu.memory_space<vmem>>, vector<16xf32>,
    %get3A_248 = vector.shape_cast %get3A_247 : vector<16xf32> to vector<16xf32>
    %get3A_249 = arith.constant 336 : index
    %get3A_250 = tpu.vector_load %arg10[%get3A_249] {strides = array<i32>} : memref<512xf32, #tpu.memory_space<vmem>>, vector<16xf32>,
    %get3A_251 = vector.shape_cast %get3A_250 : vector<16xf32> to vector<16xf32>
    %add3A_252 = arith.addf %get3A_248, %get3A_251 : vector<16xf32>
    %swap3A_253 = arith.constant 336 : index
    %swap3A_254 = tpu.vector_load %arg9[%swap3A_253] {strides = array<i32>} : memref<512xf32, #tpu.memory_space<vmem>>, vector<16xf32>,
    %swap3A_255 = vector.shape_cast %swap3A_254 : vector<16xf32> to vector<16xf32>
    %swap3A_256 = vector.shape_cast %add3A_252 : vector<16xf32> to vector<16xf32>
    tpu.vector_store %arg9[%swap3A_253], %swap3A_256 {strides = array<i32>} : memref<512xf32, #tpu.memory_space<vmem>>, vector<16xf32>,
    %get3A_257 = arith.constant 352 : index
    %get3A_258 = tpu.vector_load %arg9[%get3A_257] {strides = array<i32>} : memref<512xf32, #tpu.memory_space<vmem>>, vector<16xf32>,
    %get3A_259 = vector.shape_cast %get3A_258 : vector<16xf32> to vector<16xf32>
    %get3A_260 = arith.constant 352 : index
    %get3A_261 = tpu.vector_load %arg10[%get3A_260] {strides = array<i32>} : memref<512xf32, #tpu.memory_space<vmem>>, vector<16xf32>,
    %get3A_262 = vector.shape_cast %get3A_261 : vector<16xf32> to vector<16xf32>
    %add3A_263 = arith.addf %get3A_259, %get3A_262 : vector<16xf32>
    %swap3A_264 = arith.constant 352 : index
    %swap3A_265 = tpu.vector_load %arg9[%swap3A_264] {strides = array<i32>} : memref<512xf32, #tpu.memory_space<vmem>>, vector<16xf32>,
    %swap3A_266 = vector.shape_cast %swap3A_265 : vector<16xf32> to vector<16xf32>
    %swap3A_267 = vector.shape_cast %add3A_263 : vector<16xf32> to vector<16xf32>
    tpu.vector_store %arg9[%swap3A_264], %swap3A_267 {strides = array<i32>} : memref<512xf32, #tpu.memory_space<vmem>>, vector<16xf32>,
    %get3A_268 = arith.constant 368 : index
    %get3A_269 = tpu.vector_load %arg9[%get3A_268] {strides = array<i32>} : memref<512xf32, #tpu.memory_space<vmem>>, vector<16xf32>,
    %get3A_270 = vector.shape_cast %get3A_269 : vector<16xf32> to vector<16xf32>
    %get3A_271 = arith.constant 368 : index
    %get3A_272 = tpu.vector_load %arg10[%get3A_271] {strides = array<i32>} : memref<512xf32, #tpu.memory_space<vmem>>, vector<16xf32>,
    %get3A_273 = vector.shape_cast %get3A_272 : vector<16xf32> to vector<16xf32>
    %add3A_274 = arith.addf %get3A_270, %get3A_273 : vector<16xf32>
    %swap3A_275 = arith.constant 368 : index
    %swap3A_276 = tpu.vector_load %arg9[%swap3A_275] {strides = array<i32>} : memref<512xf32, #tpu.memory_space<vmem>>, vector<16xf32>,
    %swap3A_277 = vector.shape_cast %swap3A_276 : vector<16xf32> to vector<16xf32>
    %swap3A_278 = vector.shape_cast %add3A_274 : vector<16xf32> to vector<16xf32>
    tpu.vector_store %arg9[%swap3A_275], %swap3A_278 {strides = array<i32>} : memref<512xf32, #tpu.memory_space<vmem>>, vector<16xf32>,
    %get3A_279 = arith.constant 384 : index
    %get3A_280 = tpu.vector_load %arg9[%get3A_279] {strides = array<i32>} : memref<512xf32, #tpu.memory_space<vmem>>, vector<16xf32>,
    %get3A_281 = vector.shape_cast %get3A_280 : vector<16xf32> to vector<16xf32>
    %get3A_282 = arith.constant 384 : index
    %get3A_283 = tpu.vector_load %arg10[%get3A_282] {strides = array<i32>} : memref<512xf32, #tpu.memory_space<vmem>>, vector<16xf32>,
    %get3A_284 = vector.shape_cast %get3A_283 : vector<16xf32> to vector<16xf32>
    %add3A_285 = arith.addf %get3A_281, %get3A_284 : vector<16xf32>
    %swap3A_286 = arith.constant 384 : index
    %swap3A_287 = tpu.vector_load %arg9[%swap3A_286] {strides = array<i32>} : memref<512xf32, #tpu.memory_space<vmem>>, vector<16xf32>,
    %swap3A_288 = vector.shape_cast %swap3A_287 : vector<16xf32> to vector<16xf32>
    %swap3A_289 = vector.shape_cast %add3A_285 : vector<16xf32> to vector<16xf32>
    tpu.vector_store %arg9[%swap3A_286], %swap3A_289 {strides = array<i32>} : memref<512xf32, #tpu.memory_space<vmem>>, vector<16xf32>,
    %get3A_290 = arith.constant 400 : index
    %get3A_291 = tpu.vector_load %arg9[%get3A_290] {strides = array<i32>} : memref<512xf32, #tpu.memory_space<vmem>>, vector<16xf32>,
    %get3A_292 = vector.shape_cast %get3A_291 : vector<16xf32> to vector<16xf32>
    %get3A_293 = arith.constant 400 : index
    %get3A_294 = tpu.vector_load %arg10[%get3A_293] {strides = array<i32>} : memref<512xf32, #tpu.memory_space<vmem>>, vector<16xf32>,
    %get3A_295 = vector.shape_cast %get3A_294 : vector<16xf32> to vector<16xf32>
    %add3A_296 = arith.addf %get3A_292, %get3A_295 : vector<16xf32>
    %swap3A_297 = arith.constant 400 : index
    %swap3A_298 = tpu.vector_load %arg9[%swap3A_297] {strides = array<i32>} : memref<512xf32, #tpu.memory_space<vmem>>, vector<16xf32>,
    %swap3A_299 = vector.shape_cast %swap3A_298 : vector<16xf32> to vector<16xf32>
    %swap3A_300 = vector.shape_cast %add3A_296 : vector<16xf32> to vector<16xf32>
    tpu.vector_store %arg9[%swap3A_297], %swap3A_300 {strides = array<i32>} : memref<512xf32, #tpu.memory_space<vmem>>, vector<16xf32>,
    %get3A_301 = arith.constant 416 : index
    %get3A_302 = tpu.vector_load %arg9[%get3A_301] {strides = array<i32>} : memref<512xf32, #tpu.memory_space<vmem>>, vector<16xf32>,
    %get3A_303 = vector.shape_cast %get3A_302 : vector<16xf32> to vector<16xf32>
    %get3A_304 = arith.constant 416 : index
    %get3A_305 = tpu.vector_load %arg10[%get3A_304] {strides = array<i32>} : memref<512xf32, #tpu.memory_space<vmem>>, vector<16xf32>,
    %get3A_306 = vector.shape_cast %get3A_305 : vector<16xf32> to vector<16xf32>
    %add3A_307 = arith.addf %get3A_303, %get3A_306 : vector<16xf32>
    %swap3A_308 = arith.constant 416 : index
    %swap3A_309 = tpu.vector_load %arg9[%swap3A_308] {strides = array<i32>} : memref<512xf32, #tpu.memory_space<vmem>>, vector<16xf32>,
    %swap3A_310 = vector.shape_cast %swap3A_309 : vector<16xf32> to vector<16xf32>
    %swap3A_311 = vector.shape_cast %add3A_307 : vector<16xf32> to vector<16xf32>
    tpu.vector_store %arg9[%swap3A_308], %swap3A_311 {strides = array<i32>} : memref<512xf32, #tpu.memory_space<vmem>>, vector<16xf32>,
    %get3A_312 = arith.constant 432 : index
    %get3A_313 = tpu.vector_load %arg9[%get3A_312] {strides = array<i32>} : memref<512xf32, #tpu.memory_space<vmem>>, vector<16xf32>,
    %get3A_314 = vector.shape_cast %get3A_313 : vector<16xf32> to vector<16xf32>
    %get3A_315 = arith.constant 432 : index
    %get3A_316 = tpu.vector_load %arg10[%get3A_315] {strides = array<i32>} : memref<512xf32, #tpu.memory_space<vmem>>, vector<16xf32>,
    %get3A_317 = vector.shape_cast %get3A_316 : vector<16xf32> to vector<16xf32>
    %add3A_318 = arith.addf %get3A_314, %get3A_317 : vector<16xf32>
    %swap3A_319 = arith.constant 432 : index
    %swap3A_320 = tpu.vector_load %arg9[%swap3A_319] {strides = array<i32>} : memref<512xf32, #tpu.memory_space<vmem>>, vector<16xf32>,
    %swap3A_321 = vector.shape_cast %swap3A_320 : vector<16xf32> to vector<16xf32>
    %swap3A_322 = vector.shape_cast %add3A_318 : vector<16xf32> to vector<16xf32>
    tpu.vector_store %arg9[%swap3A_319], %swap3A_322 {strides = array<i32>} : memref<512xf32, #tpu.memory_space<vmem>>, vector<16xf32>,
    %get3A_323 = arith.constant 448 : index
    %get3A_324 = tpu.vector_load %arg9[%get3A_323] {strides = array<i32>} : memref<512xf32, #tpu.memory_space<vmem>>, vector<16xf32>,
    %get3A_325 = vector.shape_cast %get3A_324 : vector<16xf32> to vector<16xf32>
    %get3A_326 = arith.constant 448 : index
    %get3A_327 = tpu.vector_load %arg10[%get3A_326] {strides = array<i32>} : memref<512xf32, #tpu.memory_space<vmem>>, vector<16xf32>,
    %get3A_328 = vector.shape_cast %get3A_327 : vector<16xf32> to vector<16xf32>
    %add3A_329 = arith.addf %get3A_325, %get3A_328 : vector<16xf32>
    %swap3A_330 = arith.constant 448 : index
    %swap3A_331 = tpu.vector_load %arg9[%swap3A_330] {strides = array<i32>} : memref<512xf32, #tpu.memory_space<vmem>>, vector<16xf32>,
    %swap3A_332 = vector.shape_cast %swap3A_331 : vector<16xf32> to vector<16xf32>
    %swap3A_333 = vector.shape_cast %add3A_329 : vector<16xf32> to vector<16xf32>
    tpu.vector_store %arg9[%swap3A_330], %swap3A_333 {strides = array<i32>} : memref<512xf32, #tpu.memory_space<vmem>>, vector<16xf32>,
    %get3A_334 = arith.constant 464 : index
    %get3A_335 = tpu.vector_load %arg9[%get3A_334] {strides = array<i32>} : memref<512xf32, #tpu.memory_space<vmem>>, vector<16xf32>,
    %get3A_336 = vector.shape_cast %get3A_335 : vector<16xf32> to vector<16xf32>
    %get3A_337 = arith.constant 464 : index
    %get3A_338 = tpu.vector_load %arg10[%get3A_337] {strides = array<i32>} : memref<512xf32, #tpu.memory_space<vmem>>, vector<16xf32>,
    %get3A_339 = vector.shape_cast %get3A_338 : vector<16xf32> to vector<16xf32>
    %add3A_340 = arith.addf %get3A_336, %get3A_339 : vector<16xf32>
    %swap3A_341 = arith.constant 464 : index
    %swap3A_342 = tpu.vector_load %arg9[%swap3A_341] {strides = array<i32>} : memref<512xf32, #tpu.memory_space<vmem>>, vector<16xf32>,
    %swap3A_343 = vector.shape_cast %swap3A_342 : vector<16xf32> to vector<16xf32>
    %swap3A_344 = vector.shape_cast %add3A_340 : vector<16xf32> to vector<16xf32>
    tpu.vector_store %arg9[%swap3A_341], %swap3A_344 {strides = array<i32>} : memref<512xf32, #tpu.memory_space<vmem>>, vector<16xf32>,
    %get3A_345 = arith.constant 480 : index
    %get3A_346 = tpu.vector_load %arg9[%get3A_345] {strides = array<i32>} : memref<512xf32, #tpu.memory_space<vmem>>, vector<16xf32>,
    %get3A_347 = vector.shape_cast %get3A_346 : vector<16xf32> to vector<16xf32>
    %get3A_348 = arith.constant 480 : index
    %get3A_349 = tpu.vector_load %arg10[%get3A_348] {strides = array<i32>} : memref<512xf32, #tpu.memory_space<vmem>>, vector<16xf32>,
    %get3A_350 = vector.shape_cast %get3A_349 : vector<16xf32> to vector<16xf32>
    %add3A_351 = arith.addf %get3A_347, %get3A_350 : vector<16xf32>
    %swap3A_352 = arith.constant 480 : index
    %swap3A_353 = tpu.vector_load %arg9[%swap3A_352] {strides = array<i32>} : memref<512xf32, #tpu.memory_space<vmem>>, vector<16xf32>,
    %swap3A_354 = vector.shape_cast %swap3A_353 : vector<16xf32> to vector<16xf32>
    %swap3A_355 = vector.shape_cast %add3A_351 : vector<16xf32> to vector<16xf32>
    tpu.vector_store %arg9[%swap3A_352], %swap3A_355 {strides = array<i32>} : memref<512xf32, #tpu.memory_space<vmem>>, vector<16xf32>,
    %get3A_356 = arith.constant 496 : index
    %get3A_357 = tpu.vector_load %arg9[%get3A_356] {strides = array<i32>} : memref<512xf32, #tpu.memory_space<vmem>>, vector<16xf32>,
    %get3A_358 = vector.shape_cast %get3A_357 : vector<16xf32> to vector<16xf32>
    %get3A_359 = arith.constant 496 : index
    %get3A_360 = tpu.vector_load %arg10[%get3A_359] {strides = array<i32>} : memref<512xf32, #tpu.memory_space<vmem>>, vector<16xf32>,
    %get3A_361 = vector.shape_cast %get3A_360 : vector<16xf32> to vector<16xf32>
    %add3A_362 = arith.addf %get3A_358, %get3A_361 : vector<16xf32>
    %swap3A_363 = arith.constant 496 : index
    %swap3A_364 = tpu.vector_load %arg9[%swap3A_363] {strides = array<i32>} : memref<512xf32, #tpu.memory_space<vmem>>, vector<16xf32>,
    %swap3A_365 = vector.shape_cast %swap3A_364 : vector<16xf32> to vector<16xf32>
    %swap3A_366 = vector.shape_cast %add3A_362 : vector<16xf32> to vector<16xf32>
    tpu.vector_store %arg9[%swap3A_363], %swap3A_366 {strides = array<i32>} : memref<512xf32, #tpu.memory_space<vmem>>, vector<16xf32>,
    "tpu.region"() ({
      %run_scoped3A = tpu.sem_alloc : memref<!tpu.dma_semaphore, #tpu.memory_space<semaphore_mem>>
      %dma_start3A_367 = tpu.memref_slice %arg6[%mul3A_2] : memref<16384xf32, #tpu.memory_space<hbm>> -> memref<512xf32, #tpu.memory_space<hbm>>
      %dma_start3A_368 = tpu.memref_slice %arg6[%mul3A_2] : memref<16384xf32, #tpu.memory_space<hbm>> -> memref<512xf32, #tpu.memory_space<hbm>>
      tpu.enqueue_dma source(%arg9 : memref<512xf32, #tpu.memory_space<vmem>>) target(%dma_start3A_368 : memref<512xf32, #tpu.memory_space<hbm>>) target_semaphore(%run_scoped3A : memref<!tpu.dma_semaphore, #tpu.memory_space<semaphore_mem>>)
      %dma_wait3A_369 = tpu.memref_slice %arg6[%mul3A_2] : memref<16384xf32, #tpu.memory_space<hbm>> -> memref<512xf32, #tpu.memory_space<hbm>>
      %dma_wait3A_370 = tpu.memref_slice %arg6[%mul3A_2] : memref<16384xf32, #tpu.memory_space<hbm>> -> memref<512xf32, #tpu.memory_space<hbm>>
      tpu.wait_dma2 semaphore(%run_scoped3A : memref<!tpu.dma_semaphore, #tpu.memory_space<semaphore_mem>>) src(%arg9 : memref<512xf32, #tpu.memory_space<vmem>>) dst(%dma_wait3A_370 : memref<512xf32, #tpu.memory_space<hbm>>)
      tpu.yield
    }) : () -> ()
    return
  }
}

module attributes {stable_mosaic.version = 14 : i64} {
  func.func @_tc_mv_body(%arg0: i32, %arg1: memref<8192x128xf32, #tpu.memory_space<vmem>>, %arg2: memref<1x128xf32, #tpu.memory_space<vmem>>, %arg3: memref<8192x1xf32, #tpu.memory_space<vmem>>) attributes {dimension_semantics = [#tpu.dimension_semantics<arbitrary>], iteration_bounds = array<i64: 2>, scalar_prefetch = 0 : i64, scratch_operands = 0 : i64, tpu.core_type = #tpu.core_type<tc>, window_params = [{transform_indices = @transform_0, window_bounds = array<i64: 8192, 128>}, {pipeline_mode = #tpu.pipeline_mode<synchronous>, transform_indices = @transform_1, window_bounds = array<i64: 1, 128>}, {transform_indices = @transform_2, window_bounds = array<i64: 8192, 1>}]} {
    %get3A = arith.constant 0 : index
    %get3A_0 = arith.constant 0 : index
    %get3A_1 = vector.load %arg1[%get3A, %get3A_0] : memref<8192x128xf32, #tpu.memory_space<vmem>>, vector<8192x128xf32>
    %get3A_2 = arith.constant 0 : index
    %get3A_3 = arith.constant 0 : index
    %get3A_4 = vector.load %arg2[%get3A_2, %get3A_3] : memref<1x128xf32, #tpu.memory_space<vmem>>, vector<1x128xf32>
    %dot_general3A = arith.constant dense<0.000000e+00> : vector<8192x1xf32>
    %dot_general3A_5 = tpu.matmul %get3A_1, %get3A_4, %dot_general3A {dimension_numbers = #tpu.dot_dimension_numbers<[1], [1], [0], [0], [0, 0, 1, 0], [], []>, transpose_lhs_hint = false} : vector<8192x128xf32>, vector<1x128xf32>, vector<8192x1xf32> -> vector<8192x1xf32>
    %swap3A = arith.constant 0 : index
    %swap3A_6 = arith.constant 0 : index
    %swap3A_7 = vector.load %arg3[%swap3A, %swap3A_6] : memref<8192x1xf32, #tpu.memory_space<vmem>>, vector<8192x1xf32>
    tpu.vector_store %arg3[%swap3A, %swap3A_6], %dot_general3A_5 {strides = array<i32>} : memref<8192x1xf32, #tpu.memory_space<vmem>>, vector<8192x1xf32>,
    return
  }
  func.func @transform_0(%arg0: i32) -> (i32, i32) {
    %c0_i32 = arith.constant 0 : i32
    %c0_i32_0 = arith.constant 0 : i32
    return %arg0, %c0_i32 : i32, i32
  }
  func.func @transform_1(%arg0: i32) -> (i32, i32) {
    %c0_i32 = arith.constant 0 : i32
    %c0_i32_0 = arith.constant 0 : i32
    %c0_i32_1 = arith.constant 0 : i32
    return %c0_i32, %c0_i32_0 : i32, i32
  }
  func.func @transform_2(%arg0: i32) -> (i32, i32) {
    %c0_i32 = arith.constant 0 : i32
    %c0_i32_0 = arith.constant 0 : i32
    return %arg0, %c0_i32 : i32, i32
  }
}

module attributes {stable_mosaic.version = 14 : i64} {
  func.func @_tc_add_body(%arg0: memref<16384xf32, #tpu.memory_space<vmem>>, %arg1: memref<16384xf32, #tpu.memory_space<vmem>>, %arg2: memref<16384xf32, #tpu.memory_space<vmem>>) attributes {dimension_semantics = [], scalar_prefetch = 0 : i64, scratch_operands = 0 : i64, tpu.core_type = #tpu.core_type<tc>} {
    %get3A = arith.constant 0 : index
    %get3A_0 = vector.load %arg0[%get3A] : memref<16384xf32, #tpu.memory_space<vmem>>, vector<16384xf32>
    %get3A_1 = arith.constant 0 : index
    %get3A_2 = vector.load %arg1[%get3A_1] : memref<16384xf32, #tpu.memory_space<vmem>>, vector<16384xf32>
    %add3A = arith.addf %get3A_0, %get3A_2 : vector<16384xf32>
    %swap3A = arith.constant 0 : index
    %swap3A_3 = vector.load %arg2[%swap3A] : memref<16384xf32, #tpu.memory_space<vmem>>, vector<16384xf32>
    tpu.vector_store %arg2[%swap3A], %add3A {strides = array<i32>} : memref<16384xf32, #tpu.memory_space<vmem>>, vector<16384xf32>,
    return
  }
}

</mosaic_0001>

<sc_bundles>
// kernel: kernel.5.cloned.1.call-start
scs
__scs_entry_jumppad:
0x0: {  	(pc) =	sbr.rel $0x88, $3  }
0x1: {  	(tag) =	ssettag $0x0;
	lr =	simm.s32 $0x1  }
0x2: {  	[smem:$0x3F9B] =	sst lr;
	_ =	strace $0xD0000000  }
0x3: {  	_ = 	snop  }
0x4: {  	_ = 	snop  }
0x5: {  	_ = 	snop  }
0x6: {  	_ = 	snop  }
0x7: {  	_ = 	snop  }
__scs_overlays_trampoline_lowered:
0x8: {  	[smem:$0x3FAA] =	sst s0  }
0x9: {  	[smem:$0x3FAB] =	sst s1  }
0xa: {  	[smem:$0x3FAC] =	sst s2  }
0xb: {  	[smem:$0x3FAD] =	sst s3  }
0xc: {  	[smem:$0x3FAE] =	sst s4  }
0xd: {  	[smem:$0x3FAF] =	sst s5  }
0xe: {  	[smem:$0x3FB0] =	sst s6  }
0xf: {  	[smem:$0x3FB1] =	sst s7  }
0x10: {  	[smem:$0x3FB2] =	sst s8  }
0x11: {  	[smem:$0x3FB3] =	sst s9;
	s0 =	simm.s32 @!p0 $0x0  }
0x12: {  	s1 =	sld [smem:$0x3F99];
	s0 =	simm.s32 @p0 $0x1  }
0x13: {  	[smem:$0x3FB4] =	sst s0;
	s0 =	simm.s32 @!p1 $0x0  }
0x14: {  	s2 =	sld [smem:$0x3F98];
	s0 =	simm.s32 @p1 $0x1  }
0x15: {  	[smem:$0x3FB5] =	sst s0;
	s0 =	simm.s32 @!p2 $0x0  }
0x16: {  	s3 =	sld [smem:$0x3FDB];
	s0 =	simm.s32 @p2 $0x1  }
0x17: {  	s4 =	simm.s32 $0x1BF5;
	[smem:$0x3FB7] =	sst s0  }
0x18: {  	s0 =	sld [smem:$0x3F9A];
	_ =	swait.ge [sflag:s4], $0x0  }
0x19: {  	s7 =	sld [smem:$0x3F9B]  }
0x1a: {  	s8 =	sadd.s32 $0xFFFFE003, lr  }
0x1b: {  	s9 =	sadd.s32 $0xFFFFFEF7, lr;
	s5 =	simm.s32 $0xFFFFFFFF;
	p2 =	slt.u32 s8, $0xFFFFF086  }
0x1c: {  	p1 =	slt.u32 s9, $0xF7A;
	s5 =	simm.s32 @!p2 $0x0  }
0x1d: {  	s5 =	simm.s32 @p1 $0x1;
	p0 =	seq.s32 s7, s2  }
0x1e: {  	s7 =	smul.u32 @!p0 $0xF7A, s2;
	p2 =	seq.s32 @!p0 s5, $0x0  }
0x1f: {  	s9 =	smul.u32 $0xF7A, s1;
	s8 =	simm.s32 @!p0 $0x1BF5;
	p2 =	por !p2, p0  }
0x20: {  	[sflag:s8] =	ssyncset.s32 @!p0 $0xFFFFF086;
	s6 =	sadd.s32 @!p0 s3, s7;
	s7 =	simm.s32 @!p0 $0x108  }
0x21: {  	s3 =	sadd.s32 s3, s9;
	s6 =	sadd.s32 @!p0 $0x88, s6;
	s7 =	simm.s32 @p2 $0x1082  }
0x22: {  	[simem:s7], [sflag:s8] =	dma.local @!p0 [hbm:s6], $0xF7A  }
0x23: {  	s9 =	sor.u32 $0xD0000000, s2;
	s6 =	simm.s32 $0x108;
	_ =	swait.ge @!p0 [sflag:s8], $0x0  }
0x24: {  	s3 =	sadd.s32 $0x88, s3;
	s6 =	simm.s32 @!p1 $0x1082;
	[sflag:s4] =	ssyncset.s32 $0xFFFFF086  }
0x25: {  	[simem:s6], [sflag:s4] =	dma.local [hbm:s3], $0xF7A  }
0x26: {  	[smem:$0x3F9B] =	sst s1;
	(tag) =	ssettag s2;
	_ =	strace s9  }
0x27: {  	s1 =	sld [smem:$0x3FAB]  }
0x28: {  	s2 =	sld [smem:$0x3FAC]  }
0x29: {  	s4 =	sld [smem:$0x3FAE]  }
0x2a: {  	p0 =	seq.s32 s5, $0x0;
	s5 =	sld [smem:$0x3FAF]  }
0x2b: {  	s6 =	sld [smem:$0x3FB0]  }
0x2c: {  	s7 =	sld [smem:$0x3FB1]  }
0x2d: {  	s3 =	simm.s32 $0x108;
	s8 =	sld [smem:$0x3FB2]  }
0x2e: {  	s3 =	simm.s32 @!p0 $0x1082;
	s9 =	sld [smem:$0x3FB3]  }
0x2f: {  	lr =	sadd.s32 s0, s3;
	s0 =	sld [smem:$0x3FAA]  }
0x30: {  	s3 =	sld [smem:$0x3FAD]  }
0x31: {  	[smem:$0x3FB6] =	sst s10  }
0x32: {  	s10 =	sld [smem:$0x3FB4];
	_ =	sdelay $0x3  }
0x33: {  	p0 =	seq.s32 s10, $0x1;
	s10 =	sld [smem:$0x3FB6];
	_ =	sdelay $0x3  }
0x34: {  	[smem:$0x3FB6] =	sst s10  }
0x35: {  	s10 =	sld [smem:$0x3FB5];
	_ =	sdelay $0x3  }
0x36: {  	p1 =	seq.s32 s10, $0x1;
	s10 =	sld [smem:$0x3FB6];
	_ =	sdelay $0x3  }
0x37: {  	[smem:$0x3FB6] =	sst s10  }
0x38: {  	s10 =	sld [smem:$0x3FB7]  }
0x39: {  	_ = 	snop;
	(pc) =	sbr.ind lr, $3  }
0x3a: {  	_ = 	snop  }
0x3b: {  	_ = 	snop  }
0x3c: {  	p2 =	seq.s32 s10, $0x1;
	s10 =	sld [smem:$0x3FB6]  }
0x3d: {  	_ =	shalt  }
0x3e: {  	_ =	shalt  }
0x3f: {  	_ =	shalt  }
0x40: {  	_ =	shalt  }
0x41: {  	_ =	shalt  }
0x42: {  	_ =	shalt  }
0x43: {  	_ =	shalt  }
0x44: {  	_ =	shalt  }
0x45: {  	_ =	shalt  }
0x46: {  	_ =	shalt  }
0x47: {  	_ =	shalt  }
0x48: {  	_ =	shalt  }
0x49: {  	_ =	shalt  }
0x4a: {  	_ =	shalt  }
0x4b: {  	_ =	shalt  }
0x4c: {  	_ =	shalt  }
0x4d: {  	_ =	shalt  }
0x4e: {  	_ =	shalt  }
0x4f: {  	_ =	shalt  }
0x50: {  	_ =	shalt  }
0x51: {  	_ =	shalt  }
0x52: {  	_ =	shalt  }
0x53: {  	_ =	shalt  }
0x54: {  	_ =	shalt  }
0x55: {  	_ =	shalt  }
0x56: {  	_ =	shalt  }
0x57: {  	_ =	shalt  }
0x58: {  	_ =	shalt  }
0x59: {  	_ =	shalt  }
0x5a: {  	_ =	shalt  }
0x5b: {  	_ =	shalt  }
0x5c: {  	_ =	shalt  }
0x5d: {  	_ =	shalt  }
0x5e: {  	_ =	shalt  }
0x5f: {  	_ =	shalt  }
0x60: {  	_ =	shalt  }
0x61: {  	_ =	shalt  }
0x62: {  	_ =	shalt  }
0x63: {  	_ =	shalt  }
0x64: {  	_ =	shalt  }
0x65: {  	_ =	shalt  }
0x66: {  	_ =	shalt  }
0x67: {  	_ =	shalt  }
0x68: {  	_ =	shalt  }
0x69: {  	_ =	shalt  }
0x6a: {  	_ =	shalt  }
0x6b: {  	_ =	shalt  }
0x6c: {  	_ =	shalt  }
0x6d: {  	_ =	shalt  }
0x6e: {  	_ =	shalt  }
0x6f: {  	_ =	shalt  }
0x70: {  	_ =	shalt  }
0x71: {  	_ =	shalt  }
0x72: {  	_ =	shalt  }
0x73: {  	_ =	shalt  }
0x74: {  	_ =	shalt  }
0x75: {  	_ =	shalt  }
0x76: {  	_ =	shalt  }
0x77: {  	_ =	shalt  }
0x78: {  	_ =	shalt  }
0x79: {  	_ =	shalt  }
0x7a: {  	_ =	shalt  }
0x7b: {  	_ =	shalt  }
0x7c: {  	_ =	shalt  }
0x7d: {  	_ =	shalt  }
0x7e: {  	_ =	shalt  }
0x7f: {  	_ =	shalt  }
0x80: {  	_ =	shalt  }
0x81: {  	_ =	shalt  }
0x82: {  	_ =	shalt  }
0x83: {  	_ =	shalt  }
0x84: {  	_ =	shalt  }
0x85: {  	_ =	shalt  }
0x86: {  	_ =	shalt  }
0x87: {  	_ =	shalt  }
.Lfunc_end0:
.L_simem_size_0:
called_computation_lowered:
.L_overlay_start_0:
0x88: {  	s2 =	sld [smem:$0x3FD9]  }
0x89: {  	s3 =	sld [smem:$0x3FFE];
	_ =	sdelay $0x1  }
0x8a: {  	s1 =	srdreg.scid  }
0x8b: {  	s0 =	sand.u32 $0x1, s1  }
0x8c: {  	s17 =	sshll.u32 s0, $0xA;
	s2 =	sadd.s32 s3, s2  }
0x8d: {  	s2 =	sadd.s32 s2, s17  }
0x8e: {  	[smem:$0x3FC2] =	sst s2  }
0x8f: {  	_ = 	snop  }
0x90: {  	s2 =	sld [smem:$0x3FC9]  }
0x91: {  	s18 =	sld [smem:$0x3FC8]  }
0x92: {  	s4 =	sld [smem:$0x3FC5]  }
0x93: {  	s5 =	sld [smem:$0x3FD0];
	(tm) =	ssettm $0x1  }
0x94: {  	s6 =	sld [smem:$0x3FFB];
	_ =	sdelay $0x3  }
0x95: {  	_ =	strace s6  }
0x96: {  	s6 =	sld [smem:$0x3FFC];
	_ =	sdelay $0x3  }
0x97: {  	_ =	strace s6  }
0x98: {  	s6 =	sld [smem:$0x3FFD];
	_ =	sdelay $0x3  }
0x99: {  	_ =	strace s6  }
0x9a: {  	_ =	strace $0x8FFFFFFF  }
0x9b: {  	s19 =	sld [smem:$0x3FDB];
	_ =	sdelay $0x1  }
0x9c: {  	s7 =	simm.s32 $_scs_section_size  }
0x9d: {  	s8 =	simm.s32 $_size__tile_overlayer_lowered;
	s9 =	simm.s32 $_tile_overlayer_lowered  }
0x9e: {  	s22 =	simm.s32 $0x1BFF;
	s21 =	sshll.u32 s9, $0x1;
	s6 =	sadd.s32 s7, s19  }
0x9f: {  	s10 =	simm.s32 $0x0;
	s20 =	sshll.u32 s8, $0x1;
	s8 =	sadd.s32 s21, s6  }
0xa0: {  	[timem:s10], [sflag:s22] =	dma.local [hbm:s8], s20  }
0xa1: {  	_ =	swait.ge [sflag:s22], s20  }
0xa2: {  	s7 =	ssub.s32 $0x0, s20;
	[sflag:s22] =	ssyncset.done $0x0  }
0xa3: {  	[sflag:s22] =	ssyncadd.s32 s7;
	_ =	sdelay $0x1  }
0xa4: {  	s23 =	simm.s32 $0x1B8B  }
0xa5: {  	_ =	swait.ge [sflag:s23], $0x1  }
0xa6: {  	[sflag:s23] =	ssyncset.done $0x0  }
0xa7: {  	s25 =	simm.s32 $0x1B8E;
	s24 =	sld [smem:$0x3FFE];
	[sflag:s23] =	ssyncadd.s32 $0xFFFFFFFF  }
0xa8: {  	s26 =	simm.s32 $execute0_lowered;
	[smem:$0x3FD2] =	sst s25  }
0xa9: {  	s8 =	sshll.u32 s26, $0x1;
	_ =	strace $0x80000046;
	[dreg:$0x1] =	wrdreg $0xFFFFFFFF  }
0xaa: {  	s28 =	simm.s32 $_size_execute0_lowered;
	s6 =	sadd.s32 s6, s8;
	[dreg:$0x0] =	wrdreg $0x0  }
0xab: {  	s8 =	sshll.u32 s28, $0x1;
	[dreg:$0x2] =	wrdreg s6  }
0xac: {  	[dreg:$0x3] =	wrdreg s8  }
0xad: {  	[dreg:$0x4] =	wrdreg $0xC0  }
0xae: {  	_ =	task [dreg:s10], $0x5FFFF  }
0xaf: {  	[dreg:$0x1] =	wrdreg $0xFFFFFFFF  }
0xb0: {  	[dreg:$0x0] =	wrdreg $0x60  }
0xb1: {  	[dreg:$0x2] =	wrdreg s2  }
0xb2: {  	[dreg:$0x3] =	wrdreg s18  }
0xb3: {  	[dreg:$0x4] =	wrdreg s24  }
0xb4: {  	[dreg:$0x5] =	wrdreg s4  }
0xb5: {  	[dreg:$0x6] =	wrdreg s5  }
0xb6: {  	[dreg:$0x7] =	wrdreg $0x9  }
0xb7: {  	_ =	task.clear_ibuf [dreg:s10], $0x8FFFF;
	_ =	strace $0x90000046  }
0xb8: {  	s29 =	simm.s32 $0x9;
	_ =	strace $0x80000048  }
0xb9: {  	_ =	swait.ge [sflag:s29], $0x1  }
0xba: {  	[sflag:s29] =	ssyncadd.s32 $0xFFFFFFFF  }
0xbb: {  	_ =	strace $0x90000048  }
0xbc: {  	_ =	sfence  }
0xbd: {  	s30 =	sld [smem:$0x0];
	_ =	sdelay $0x2  }
0xbe: {  	s31 =	sshll.u32 s1, $0xD;
	s1 =	sshrl.u32 s1, $0x2  }
0xbf: {  	s3 =	sand.u32 $0x4000, s31;
	s1 =	sadd.s32 s1, s30  }
0xc0: {  	s0 =	sor.u32 s3, s0;
	s1 =	sshll.u32 s1, $0x11  }
0xc1: {  	s0 =	sor.u32 s1, s0  }
0xc2: {  	s0 =	sadd.s32 $0x8F2B, s0  }
0xc3: {  	[sflag:s0] =	ssyncadd.remote.s32 $0x1  }
0xc4: {  	_ =	sfence.sel $0xFFFF  }
0xc5: {  	[dreg:$0x0] =	wrdreg $0xFFFFFFFF;
	(pc) =	sbr.abs _section_cstart, $3  }
0xc6: {  	[dreg:$0x1] =	wrdreg $0xFFFFFFFF  }
0xc7: {  	_ =	task.clear_ibuf [dreg:s10], $0x2FFFF;
	_ =	strace $0x9FFFFFFF  }
0xc8: {  	(tm) =	ssettm $0x7FFFFFFF  }
0xc9: {  	_ =	shalt  }
tec
execute0_lowered:
.L_overlay_start_1:
0x0: {  	(tag) =	ssettag $0x1  }
0x1: {  	s5 =	rddreg [dreg:$0x0]  }
0x2: {  	s6 =	rddreg [dreg:$0x1]  }
0x3: {  	s4 =	rddreg [dreg:$0x2]  }
0x4: {  	s1 =	rddreg [dreg:$0x3]  }
0x5: {  	s7 =	rddreg [dreg:$0x4]  }
0x6: {  	s0 =	rddreg [dreg:$0x5];
	s2 =	simm.s32 $0x0  }
0x7: {  	s3 =	srdreg.scid;
	s12 =	simm.s32 $0x2;
	s13 =	simm.s32 $0x600  }
0x8: {  	s14 =	simm.s32 $0x3;
	s15 =	simm.s32 $0x4;
	s16 =	simm.s32 $0x5  }
0x9: {  	[smem:$0x7FF] =	sst s2;
	s8 =	sand.u32 $0x1, s3;
	s3 =	stileid.u32  }
0xa: {  	s4 =	sadd.s32 $0x600, s4;
	_ =	strace $0x80000047;
	s9 =	ssub.s32 $0x2, s8  }
0xb: {  	s11 =	sshll.u32 s3, $0x7;
	s8 =	sshll.u32 s8, $0x6;
	s10 =	sshrl.u32 s9, $0x1  }
0xc: {  	s8 =	sor.u32 s8, s11;
	s11 =	simm.s32 $0x400;
	s9 =	ssub.s32 s9, s10  }
0xd: {  	s5 =	sadd.s32 s5, s8;
	s6 =	sadd.s32 s6, s8;
	s7 =	sadd.s32 s7, s8  }
0xe: {  	s10 =	simm.s32 $0x1;
	s8 =	smax.u32 s9, $0x1;
	s9 =	simm.s32 $0x200  }
.LBB2_1:
0xf: {  	[tilespmem:s2], [sflag:$0x1] =	stream.linear.gather [hbm4b:s5+s2], $0x200, $0x38;
	[tilespmem:$0x800] =	vst v63  }
0x10: {  	_ = 	snop  }
0x11: {  	[tilespmem:s9], [sflag:$0x2] =	stream.linear.gather [hbm4b:s6+s2], $0x200, $0x38;
	[tilespmem:$0x800] =	vst v63  }
0x12: {  	_ =	swait.ge [sflag:s10], $0x200  }
0x13: {  	[sflag:s10] =	ssyncset.done $0x0  }
0x14: {  	[sflag:s10] =	ssyncadd.s32 $0xFFFFFE00  }
0x15: {  	[tilespmem:s11], [sflag:$0x4] =	stream.indirect.gather [hbm4b:s4+s9], $0x1, s2, s9, $0xb8;
	[tilespmem:$0x800] =	vst v63  }
0x16: {  	_ =	swait.ge [sflag:s12], $0x200  }
0x17: {  	[sflag:s12] =	ssyncset.done $0x0  }
0x18: {  	[sflag:s12] =	ssyncadd.s32 $0xFFFFFE00  }
0x19: {  	[tilespmem:s13], [sflag:$0x3] =	stream.indirect.gather [hbm4b:s1+s9], $0x1, s9, s9, $0xb8;
	[tilespmem:$0x800] =	vst v63  }
0x1a: {  	_ =	swait.ge [sflag:s14], $0x200  }
0x1b: {  	[sflag:s14] =	ssyncset.done $0x0  }
0x1c: {  	[sflag:s14] =	ssyncadd.s32 $0xFFFFFE00  }
0x1d: {  	_ =	swait.ge [sflag:s15], $0x200  }
0x1e: {  	[sflag:s15] =	ssyncset.done $0x0  }
0x1f: {  	[sflag:s15] =	ssyncadd.s32 $0xFFFFFE00  }
0x20: {  	v0 =	vld [tilespmem:$0x400]  }
0x21: {  	v1 =	vld [tilespmem:$0x600]  }
0x22: {  	v2 =	vld [tilespmem:$0x410]  }
0x23: {  	v3 =	vld [tilespmem:$0x610]  }
0x24: {  	v4 =	vld [tilespmem:$0x420]  }
0x25: {  	v5 =	vld [tilespmem:$0x620]  }
0x26: {  	v6 =	vld [tilespmem:$0x430]  }
0x27: {  	v7 =	vld [tilespmem:$0x630]  }
0x28: {  	v8 =	vld [tilespmem:$0x440]  }
0x29: {  	v9 =	vld [tilespmem:$0x640]  }
0x2a: {  	v10 =	vld [tilespmem:$0x450]  }
0x2b: {  	v11 =	vld [tilespmem:$0x650]  }
0x2c: {  	v12 =	vld [tilespmem:$0x460]  }
0x2d: {  	v13 =	vld [tilespmem:$0x660]  }
0x2e: {  	v14 =	vld [tilespmem:$0x470]  }
0x2f: {  	v15 =	vld [tilespmem:$0x670]  }
0x30: {  	v16 =	vld [tilespmem:$0x480]  }
0x31: {  	v17 =	vld [tilespmem:$0x680]  }
0x32: {  	v18 =	vld [tilespmem:$0x490]  }
0x33: {  	v19 =	vld [tilespmem:$0x690]  }
0x34: {  	v20 =	vld [tilespmem:$0x4A0]  }
0x35: {  	v21 =	vld [tilespmem:$0x6A0]  }
0x36: {  	v22 =	vld [tilespmem:$0x4B0]  }
0x37: {  	v23 =	vld [tilespmem:$0x6B0]  }
0x38: {  	v24 =	vld [tilespmem:$0x4C0]  }
0x39: {  	v25 =	vld [tilespmem:$0x6C0]  }
0x3a: {  	v26 =	vld [tilespmem:$0x4D0]  }
0x3b: {  	v27 =	vld [tilespmem:$0x6D0]  }
0x3c: {  	v28 =	vld [tilespmem:$0x4E0]  }
0x3d: {  	v29 =	vld [tilespmem:$0x6E0]  }
0x3e: {  	v30 =	vld [tilespmem:$0x4F0]  }
0x3f: {  	v31 =	vld [tilespmem:$0x6F0]  }
0x40: {  	v32 =	vld [tilespmem:$0x500]  }
0x41: {  	v33 =	vld [tilespmem:$0x700]  }
0x42: {  	v34 =	vld [tilespmem:$0x510]  }
0x43: {  	v35 =	vld [tilespmem:$0x710]  }
0x44: {  	v36 =	vld [tilespmem:$0x520]  }
0x45: {  	v46 =	vld [tilespmem:$0x720];
	v0 =	vadd.f32 v1, v0  }
0x46: {  	v47 =	vld [tilespmem:$0x530];
	v2 =	vadd.f32 v3, v2  }
0x47: {  	v49 =	vld [tilespmem:$0x730];
	v48 =	vadd.f32 v5, v4;
	[tilespmem:$0x400] =	vst v0  }
0x48: {  	v51 =	vld [tilespmem:$0x540];
	v50 =	vadd.f32 v7, v6;
	[tilespmem:$0x410] =	vst v2  }
0x49: {  	v53 =	vld [tilespmem:$0x740];
	v52 =	vadd.f32 v9, v8;
	[tilespmem:$0x420] =	vst v48  }
0x4a: {  	v55 =	vld [tilespmem:$0x550];
	v54 =	vadd.f32 v11, v10;
	[tilespmem:$0x430] =	vst v50  }
0x4b: {  	v57 =	vld [tilespmem:$0x750];
	v56 =	vadd.f32 v13, v12;
	[tilespmem:$0x440] =	vst v52  }
0x4c: {  	v59 =	vld [tilespmem:$0x560];
	v58 =	vadd.f32 v15, v14;
	[tilespmem:$0x450] =	vst v54  }
0x4d: {  	v61 =	vld [tilespmem:$0x760];
	v60 =	vadd.f32 v17, v16;
	[tilespmem:$0x460] =	vst v56  }
0x4e: {  	v63 =	vld [tilespmem:$0x570];
	v62 =	vadd.f32 v19, v18;
	[tilespmem:$0x470] =	vst v58  }
0x4f: {  	v37 =	vld [tilespmem:$0x5A0];
	v20 =	vadd.f32 v21, v20;
	[tilespmem:$0x480] =	vst v60  }
0x50: {  	v39 =	vld [tilespmem:$0x7A0];
	v22 =	vadd.f32 v23, v22;
	[tilespmem:$0x490] =	vst v62  }
0x51: {  	v41 =	vld [tilespmem:$0x5B0];
	v24 =	vadd.f32 v25, v24;
	[tilespmem:$0x4A0] =	vst v20  }
0x52: {  	v43 =	vld [tilespmem:$0x7B0];
	v26 =	vadd.f32 v27, v26;
	[tilespmem:$0x4B0] =	vst v22  }
0x53: {  	v45 =	vld [tilespmem:$0x5C0];
	v28 =	vadd.f32 v29, v28;
	[tilespmem:$0x4C0] =	vst v24  }
0x54: {  	v21 =	vld [tilespmem:$0x770];
	v31 =	vadd.f32 v31, v30;
	[tilespmem:$0x4D0] =	vst v26  }
0x55: {  	v23 =	vld [tilespmem:$0x580];
	v38 =	vadd.f32 v33, v32;
	[tilespmem:$0x4E0] =	vst v28  }
0x56: {  	v25 =	vld [tilespmem:$0x780];
	v40 =	vadd.f32 v35, v34;
	[tilespmem:$0x4F0] =	vst v31  }
0x57: {  	v27 =	vld [tilespmem:$0x590];
	v42 =	vadd.f32 v46, v36;
	[tilespmem:$0x500] =	vst v38  }
0x58: {  	v29 =	vld [tilespmem:$0x790];
	v44 =	vadd.f32 v49, v47;
	[tilespmem:$0x510] =	vst v40  }
0x59: {  	v46 =	vadd.f32 v53, v51;
	v47 =	vld [tilespmem:$0x7C0];
	[tilespmem:$0x520] =	vst v42  }
0x5a: {  	v49 =	vld [tilespmem:$0x5D0];
	v1 =	vadd.f32 v43, v41;
	[tilespmem:$0x530] =	vst v44  }
0x5b: {  	v51 =	vld [tilespmem:$0x7D0];
	v48 =	vadd.f32 v57, v55;
	[tilespmem:$0x540] =	vst v46  }
0x5c: {  	v53 =	vld [tilespmem:$0x5E0];
	v50 =	vadd.f32 v61, v59;
	[tilespmem:$0x5B0] =	vst v1  }
0x5d: {  	v55 =	vld [tilespmem:$0x7E0];
	v58 =	vadd.f32 v39, v37;
	[tilespmem:$0x550] =	vst v48  }
0x5e: {  	v57 =	vld [tilespmem:$0x5F0];
	[tilespmem:$0x560] =	vst v50;
	v52 =	vadd.f32 v21, v63  }
0x5f: {  	v59 =	vld [tilespmem:$0x7F0];
	[tilespmem:$0x5A0] =	vst v58;
	v54 =	vadd.f32 v25, v23  }
0x60: {  	v56 =	vadd.f32 v29, v27;
	[tilespmem:$0x570] =	vst v52  }
0x61: {  	v60 =	vadd.f32 v47, v45;
	[tilespmem:$0x580] =	vst v54  }
0x62: {  	v61 =	vadd.f32 v51, v49;
	[tilespmem:$0x590] =	vst v56  }
0x63: {  	[tilespmem:$0x5C0] =	vst v60;
	v62 =	vadd.f32 v55, v53  }
0x64: {  	[tilespmem:$0x5D0] =	vst v61;
	v63 =	vadd.f32 v59, v57  }
0x65: {  	p0 =	sne.s32 s8, $0x1;
	[tilespmem:$0x5E0] =	vst v62  }
.Ltmp0:
0x66: {  	[tilespmem:$0x5F0] =	vst v63;
	(pc) =	sbr.rel @p0 .LBB2_1-.Ltmp0, $4  }
0x67: {  	[hbm4b:s7+s2] =	stream.linear.scatter [tilespmem:s11], [sflag:$0x5], $0x200, $0x38;
	[tilespmem:$0x800] =	vst v63  }
0x68: {  	_ =	swait.ge [sflag:s16], $0x200  }
0x69: {  	[sflag:s16] =	ssyncset.done $0x0  }
0x6a: {  	s8 =	sadd.s32 $0xFFFFFFFF, s8;
	[sflag:s16] =	ssyncadd.s32 $0xFFFFFE00  }
0x6b: {  	_ =	sfence.sel $0x180000  }
0x6c: {  	[bflag:$0x0] =	sbarrier.arrive $0xFFFF  }
0x6d: {  	p0 =	sne.s32 s3, $0x0;
	_ =	strace $0x90000047  }
0x6e: {  	s0 =	sadd.s32 @!p0 $0x100000, s0;
	[bflag:$0x2] =	sbarrier.arrive $0xFFFF  }
0x6f: {  	[sflag:s0] =	ssyncadd.tile.s32 @!p0 $0x1;
	_ =	shalt  }
.Lfunc_end2:
_tile_overlayer_lowered:
.L_overlay_start_2:
0x70: {  	(tag) =	ssettag $0x2  }
0x71: {  	s0 =	rddreg [dreg:$0x0];
	s2 =	stileid.u32  }
0x72: {  	s1 =	rddreg [dreg:$0x1];
	p0 =	sne.s32 s2, $0x0  }
0x73: {  	s3 =	rddreg [dreg:$0x2];
	[bflag:$0x3] =	sbarrier.arrive $0xFFFF;
	s2 =	simm.s32 @!p0 $0x1C05  }
0x74: {  	[timem:s3], [sflag:s2] =	dma.local @!p0 [hbm:s0], s1  }
0x75: {  	s0 =	simm.s32 @!p0 $0x5  }
0x76: {  	_ =	swait.ge @!p0 [sflag:s0], s1  }
0x77: {  	s1 =	ssub.s32 @!p0 $0x0, s1;
	[sflag:s0] =	ssyncset.done @!p0 $0x0  }
0x78: {  	[sflag:s0] =	ssyncadd.s32 @!p0 s1  }
0x79: {  	[bflag:$0x3] =	sbarrier.arrive $0xFFFF  }
0x7a: {  	_ =	shalt  }

</sc_bundles>
